<compile_context>
chip_gen: v7x
topology: tpu7x:2x2x1
jax: 0.10.2.dev20260603
libtpu: 0.0.44.dev20260713+nightly
codegen_flags: <defaults>
</compile_context>

<pallas_src>
import functools

import jax
import jax.numpy as jnp
from jax import lax
from jax.experimental import pallas as pl
from jax.experimental.pallas import tpu as pltpu
from jax.experimental.pallas import tpu_sc as plsc

_BETA = 0.25
_K_TILE = 512


def _argmax_body(z_ref, e_ref, val_ref, idx_ref, s0_ref, s1_ref, *, k_tile):
    kt = pl.program_id(0)

    @pl.when(kt == 0)
    def _():
        val_ref[...] = jnp.full(val_ref.shape, -jnp.inf, jnp.float32)
        idx_ref[...] = jnp.zeros(idx_ref.shape, jnp.int32)

    def step(cur_ref, prev_ref):
        cur_ref[...] = lax.dot_general(
            z_ref[...], e_ref[...],
            (((1,), (1,)), ((), ())),
            preferred_element_type=jnp.float32,
        )
        s = prev_ref[...]
        m = jnp.max(s, axis=1, keepdims=True)
        col = lax.broadcasted_iota(jnp.int32, s.shape, 1)
        a = jnp.min(jnp.where(s == m, col, k_tile), axis=1, keepdims=True)
        a = a + (kt - 1) * k_tile
        better = jnp.logical_and(m > val_ref[...], kt > 0)
        val_ref[...] = jnp.where(better, m, val_ref[...])
        idx_ref[...] = jnp.where(better, a, idx_ref[...])

    @pl.when(kt % 2 == 0)
    def _():
        step(s0_ref, s1_ref)

    @pl.when(kt % 2 == 1)
    def _():
        step(s1_ref, s0_ref)


def _argmax_call(z_n, e_n, interpret=False):
    n, c = z_n.shape
    k = e_n.shape[0]
    nkt = k // _K_TILE
    val, idx = pl.pallas_call(
        functools.partial(_argmax_body, k_tile=_K_TILE),
        grid=(nkt + 1,),
        in_specs=[
            pl.BlockSpec((n, c), lambda kt: (0, 0)),
            pl.BlockSpec((_K_TILE, c), lambda kt: (jnp.minimum(kt, nkt - 1), 0)),
        ],
        out_specs=[
            pl.BlockSpec((n, 1), lambda kt: (0, 0)),
            pl.BlockSpec((n, 1), lambda kt: (0, 0)),
        ],
        out_shape=[
            jax.ShapeDtypeStruct((n, 1), jnp.float32),
            jax.ShapeDtypeStruct((n, 1), jnp.int32),
        ],
        scratch_shapes=[
            pltpu.VMEM((n, _K_TILE), jnp.float32),
            pltpu.VMEM((n, _K_TILE), jnp.float32),
        ],
        interpret=interpret,
    )(z_n, e_n)
    return idx.reshape(n)


def _sc_gather(table, idx):
    n = idx.shape[0]
    d = table.shape[1]
    info = plsc.get_sparse_core_info()
    nw = info.num_cores * info.num_subcores
    b_per_w = n // nw
    mesh = plsc.VectorSubcoreMesh(core_axis_name="c", subcore_axis_name="s")

    @functools.partial(
        pl.kernel,
        mesh=mesh,
        out_type=jax.ShapeDtypeStruct((n, d), jnp.float32),
        scratch_types=[
            pltpu.VMEM((b_per_w,), jnp.int32),
            pltpu.VMEM((b_per_w, d), jnp.float32),
            pltpu.SemaphoreType.DMA,
        ],
    )
    def gather_kernel(table_hbm, idx_hbm, out_hbm, idx_v, rows_v, sem):
        wid = lax.axis_index("s") * info.num_cores + lax.axis_index("c")
        base = wid * b_per_w
        pltpu.sync_copy(idx_hbm.at[pl.ds(base, b_per_w)], idx_v)
        pltpu.async_copy(table_hbm.at[idx_v], rows_v, sem).wait()
        pltpu.sync_copy(rows_v, out_hbm.at[pl.ds(base, b_per_w)])

    return gather_kernel(table, idx)


def _finish_body(x_ref, q_ref, quant_ref, loss_ref, *, nb, scale):
    b = pl.program_id(0)
    qt = q_ref[0].T
    quant_ref[0] = qt
    diff = qt - x_ref[0]
    part = jnp.sum(diff * diff)

    @pl.when(b == 0)
    def _():
        loss_ref[0, 0] = part

    @pl.when(b > 0)
    def _():
        loss_ref[0, 0] += part

    @pl.when(b == nb - 1)
    def _():
        loss_ref[0, 0] *= scale


def _finish_call(x, q_blc, interpret=False):
    nb, c, l = x.shape
    scale = (1.0 + _BETA) / float(nb * l * c)
    quant, loss = pl.pallas_call(
        functools.partial(_finish_body, nb=nb, scale=scale),
        grid=(nb,),
        in_specs=[
            pl.BlockSpec((1, c, l), lambda b: (b, 0, 0)),
            pl.BlockSpec((1, l, c), lambda b: (b, 0, 0)),
        ],
        out_specs=[
            pl.BlockSpec((1, c, l), lambda b: (b, 0, 0)),
            pl.BlockSpec(memory_space=pltpu.SMEM),
        ],
        out_shape=[
            jax.ShapeDtypeStruct((nb, c, l), jnp.float32),
            jax.ShapeDtypeStruct((1, 1), jnp.float32),
        ],
        interpret=interpret,
    )(x, q_blc)
    return quant, loss[0, 0]


def kernel(x, codebook):
    b, c, l = x.shape
    z = jnp.transpose(x, (0, 2, 1)).reshape(b * l, c)
    z_n = z / (jnp.linalg.norm(z, axis=-1, keepdims=True) + 1e-12)
    e_n = codebook / (jnp.linalg.norm(codebook, axis=-1, keepdims=True) + 1e-12)
    idx = _argmax_call(z_n, e_n)
    q = _sc_gather(e_n, idx)
    t = jnp.max(q)
    return x + t, t

# --- scband reference (transcript-rebuilt; emitter-appended) ---
"""Pipeline reference for scband-seq-vector-quantizer-31327491457310 (READ-ONLY COPY).

The authoritative reference and input builder live on the scoring server;
editing this copy changes nothing except your own understanding.
"""

import jax, jax.numpy as jnp
import numpy as np

B, C, L = 8, 256, 512
K = 8192
BETA = 0.25


def _l2norm(t, axis=-1, eps=1e-12):
    return t / (jnp.linalg.norm(t, axis=axis, keepdims=True) + eps)


def setup_inputs(seed: int = 0) -> dict:
    key = jax.random.key(seed)
    k1, k2 = jax.random.split(key)
    x = jax.random.normal(k1, (B, C, L), dtype=jnp.float32)
    codebook = jax.random.normal(k2, (K, C), dtype=jnp.float32)
    return {"x": x, "codebook": codebook}


def reference(x, codebook):
    # Faithful vectorization of the per-frame loop: each frame x[:, :, i] is a
    # (batch, emb_dim) set of vectors quantized independently against the same
    # codebook, so processing all frames at once is mathematically identical.
    b, c, l = x.shape
    z = jnp.transpose(x, (0, 2, 1)).reshape(b * l, c)  # (B*L, emb_dim)
    # cosine-similarity codebook lookup (use_cosine_sim=True)
    z_n = _l2norm(z)
    e_n = _l2norm(codebook)
    sim = z_n @ e_n.T  # (B*L, K) -- dominant compute: matmul
    idx = jnp.argmax(sim, axis=-1)
    q = jnp.take(e_n, idx, axis=0)  # quantized (normalized) code vectors
    # VQ loss per vector: commitment + codebook terms
    commit = BETA * jnp.mean((jax.lax.stop_gradient(q) - z) ** 2, axis=-1)
    cb_loss = jnp.mean((q - jax.lax.stop_gradient(z)) ** 2, axis=-1)
    per_vec_loss = commit + cb_loss  # (B*L,)
    losses = per_vec_loss.reshape(b, l)  # losses[:, i] per frame, as in the loop
    # straight-through estimator
    q_st = z + jax.lax.stop_gradient(q - z)
    quantized = jnp.transpose(q_st.reshape(b, l, c), (0, 2, 1))  # (B, C, L)
    average_loss = jnp.mean(losses)
    return quantized, average_loss

if __name__ == "__main__":
    import jax
    _d = setup_inputs()
    print(jax.jit(kernel)(*tuple(_d.values())))

</pallas_src>

<mosaic_0001>
#map = affine_map<(d0, d1) -> (0, 0)>
#map1 = affine_map<(d0, d1) -> (0)>
module attributes {stable_mosaic.version = 14 : i64} {
  func.func @gather_kernel(%arg0: i32, %arg1: i32, %arg2: memref<8192x256xf32, #tpu.memory_space<hbm>>, %arg3: memref<4096xi32, #tpu.memory_space<hbm>>, %arg4: memref<4096x256xf32, #tpu.memory_space<hbm>>, %arg5: memref<128xi32, #tpu.memory_space<vmem>>, %arg6: memref<128x256xf32, #tpu.memory_space<vmem>>, %arg7: memref<!tpu.dma_semaphore, #tpu.memory_space<semaphore_mem>>) attributes {dimension_semantics = [#tpu.dimension_semantics<core_parallel>, #tpu.dimension_semantics<subcore_parallel>], iteration_bounds = array<i64: 2, 16>, scalar_prefetch = 0 : i64, scratch_operands = 3 : i64, tpu.core_type = #tpu.core_type<sc_vector_subcore>, window_params = [{transform_indices = #map}, {transform_indices = #map1}, {transform_indices = #map}]} {
    %mul3A = arith.constant 2 : i32
    %mul3A_0 = arith.muli %arg1, %mul3A : i32
    %add3A = arith.addi %mul3A_0, %arg0 : i32
    %mul3A_1 = arith.constant 128 : i32
    %mul3A_2 = arith.muli %add3A, %mul3A_1 : i32
    "tpu.region"() ({
      %run_scoped3A = tpu.sem_alloc : memref<!tpu.dma_semaphore, #tpu.memory_space<semaphore_mem>>
      %dma_start3A_7 = tpu.memref_slice %arg3[%mul3A_2] : memref<4096xi32, #tpu.memory_space<hbm>> -> memref<128xi32, #tpu.memory_space<hbm>>
      %dma_start3A_8 = tpu.memref_slice %arg3[%mul3A_2] : memref<4096xi32, #tpu.memory_space<hbm>> -> memref<128xi32, #tpu.memory_space<hbm>>
      tpu.enqueue_dma source(%dma_start3A_8 : memref<128xi32, #tpu.memory_space<hbm>>) target(%arg5 : memref<128xi32, #tpu.memory_space<vmem>>) target_semaphore(%run_scoped3A : memref<!tpu.dma_semaphore, #tpu.memory_space<semaphore_mem>>)
      %dma_wait3A_9 = tpu.memref_slice %arg3[%mul3A_2] : memref<4096xi32, #tpu.memory_space<hbm>> -> memref<128xi32, #tpu.memory_space<hbm>>
      %dma_wait3A_10 = tpu.memref_slice %arg3[%mul3A_2] : memref<4096xi32, #tpu.memory_space<hbm>> -> memref<128xi32, #tpu.memory_space<hbm>>
      tpu.wait_dma2 semaphore(%run_scoped3A : memref<!tpu.dma_semaphore, #tpu.memory_space<semaphore_mem>>) src(%dma_wait3A_10 : memref<128xi32, #tpu.memory_space<hbm>>) dst(%arg5 : memref<128xi32, #tpu.memory_space<vmem>>)
      tpu.yield
    }) : () -> ()
    %dma_start3A = arith.constant 0 : i32
    %dma_start3A_3 = arith.constant 0 : i32
    %dma_start3A_4 = tpu.memref_slice %arg2[%dma_start3A, %dma_start3A_3] : memref<8192x256xf32, #tpu.memory_space<hbm>> -> memref<8192x256xf32, #tpu.memory_space<hbm>>
    tpu.enqueue_indirect_dma source(%dma_start3A_4 : memref<8192x256xf32, #tpu.memory_space<hbm>>) target(%arg6 : memref<128x256xf32, #tpu.memory_space<vmem>>) offsets(%arg5 : memref<128xi32, #tpu.memory_space<vmem>>) semaphore(%arg7 : memref<!tpu.dma_semaphore, #tpu.memory_space<semaphore_mem>>)
    %dma_wait3A = arith.constant 0 : i32
    %dma_wait3A_5 = arith.constant 0 : i32
    %dma_wait3A_6 = tpu.memref_slice %arg2[%dma_wait3A, %dma_wait3A_5] : memref<8192x256xf32, #tpu.memory_space<hbm>> -> memref<8192x256xf32, #tpu.memory_space<hbm>>
    tpu.wait_indirect_dma semaphore(%arg7 : memref<!tpu.dma_semaphore, #tpu.memory_space<semaphore_mem>>) src(%dma_wait3A_6 : memref<8192x256xf32, #tpu.memory_space<hbm>>) dst(%arg6 : memref<128x256xf32, #tpu.memory_space<vmem>>)
    "tpu.region"() ({
      %run_scoped3A = tpu.sem_alloc : memref<!tpu.dma_semaphore, #tpu.memory_space<semaphore_mem>>
      %dma_start3A_7 = arith.constant 0 : i32
      %dma_start3A_8 = tpu.memref_slice %arg4[%mul3A_2, %dma_start3A_7] : memref<4096x256xf32, #tpu.memory_space<hbm>> -> memref<128x256xf32, #tpu.memory_space<hbm>>
      %dma_start3A_9 = arith.constant 0 : i32
      %dma_start3A_10 = tpu.memref_slice %arg4[%mul3A_2, %dma_start3A_9] : memref<4096x256xf32, #tpu.memory_space<hbm>> -> memref<128x256xf32, #tpu.memory_space<hbm>>
      tpu.enqueue_dma source(%arg6 : memref<128x256xf32, #tpu.memory_space<vmem>>) target(%dma_start3A_10 : memref<128x256xf32, #tpu.memory_space<hbm>>) target_semaphore(%run_scoped3A : memref<!tpu.dma_semaphore, #tpu.memory_space<semaphore_mem>>)
      %dma_wait3A_11 = arith.constant 0 : i32
      %dma_wait3A_12 = tpu.memref_slice %arg4[%mul3A_2, %dma_wait3A_11] : memref<4096x256xf32, #tpu.memory_space<hbm>> -> memref<128x256xf32, #tpu.memory_space<hbm>>
      %dma_wait3A_13 = arith.constant 0 : i32
      %dma_wait3A_14 = tpu.memref_slice %arg4[%mul3A_2, %dma_wait3A_13] : memref<4096x256xf32, #tpu.memory_space<hbm>> -> memref<128x256xf32, #tpu.memory_space<hbm>>
      tpu.wait_dma2 semaphore(%run_scoped3A : memref<!tpu.dma_semaphore, #tpu.memory_space<semaphore_mem>>) src(%arg6 : memref<128x256xf32, #tpu.memory_space<vmem>>) dst(%dma_wait3A_14 : memref<128x256xf32, #tpu.memory_space<hbm>>)
      tpu.yield
    }) : () -> ()
    return
  }
}

module attributes {stable_mosaic.version = 14 : i64} {
  func.func @_argmax_body(%arg0: i32, %arg1: memref<4096x256xf32, #tpu.memory_space<vmem>>, %arg2: memref<512x256xf32, #tpu.memory_space<vmem>>, %arg3: memref<4096x1xf32, #tpu.memory_space<vmem>>, %arg4: memref<4096x1xi32, #tpu.memory_space<vmem>>, %arg5: memref<4096x512xf32, #tpu.memory_space<vmem>>, %arg6: memref<4096x512xf32, #tpu.memory_space<vmem>>) attributes {dimension_semantics = [#tpu.dimension_semantics<arbitrary>], iteration_bounds = array<i64: 17>, scalar_prefetch = 0 : i64, scratch_operands = 2 : i64, tpu.core_type = #tpu.core_type<tc>, window_params = [{pipeline_mode = #tpu.pipeline_mode<synchronous>, transform_indices = @transform_0, window_bounds = array<i64: 4096, 256>}, {transform_indices = @transform_1, window_bounds = array<i64: 512, 256>}, {pipeline_mode = #tpu.pipeline_mode<synchronous>, transform_indices = @transform_2, window_bounds = array<i64: 4096, 1>}, {pipeline_mode = #tpu.pipeline_mode<synchronous>, transform_indices = @transform_3, window_bounds = array<i64: 4096, 1>}]} {
    %eq3A = arith.constant 0 : i32
    %eq3A_0 = arith.cmpi eq, %arg0, %eq3A : i32
    %convert_element_type3A = arith.extui %eq3A_0 : i1 to i32
    %cond3A = arith.constant 0 : i32
    %cond3A_1 = arith.cmpi ne, %convert_element_type3A, %cond3A : i32
    scf.if %cond3A_1 {
      %broadcast_in_dim3A = arith.constant 0xFF800000 : f32
      %broadcast_in_dim3A_37 = vector.broadcast %broadcast_in_dim3A : f32 to vector<4096x1xf32>
      %swap3A = arith.constant 0 : index
      %swap3A_38 = arith.constant 0 : index
      %swap3A_39 = vector.load %arg3[%swap3A, %swap3A_38] : memref<4096x1xf32, #tpu.memory_space<vmem>>, vector<4096x1xf32>
      tpu.vector_store %arg3[%swap3A, %swap3A_38], %broadcast_in_dim3A_37 {strides = array<i32>} : memref<4096x1xf32, #tpu.memory_space<vmem>>, vector<4096x1xf32>,
      %broadcast_in_dim3A_40 = arith.constant 0 : i32
      %broadcast_in_dim3A_41 = vector.broadcast %broadcast_in_dim3A_40 : i32 to vector<4096x1xi32>
      %swap3A_42 = arith.constant 0 : index
      %swap3A_43 = arith.constant 0 : index
      %swap3A_44 = vector.load %arg4[%swap3A_42, %swap3A_43] : memref<4096x1xi32, #tpu.memory_space<vmem>>, vector<4096x1xi32>
      tpu.vector_store %arg4[%swap3A_42, %swap3A_43], %broadcast_in_dim3A_41 {strides = array<i32>} : memref<4096x1xi32, #tpu.memory_space<vmem>>, vector<4096x1xi32>,
    } else {
    }
    %jit3A = arith.constant 2 : i32
    %eq3A_2 = arith.constant 0 : i32
    %eq3A_3 = arith.cmpi eq, %jit3A, %eq3A_2 : i32
    %jit3A_4 = arith.constant 1 : i32
    %select_n3A = arith.select %eq3A_3, %jit3A_4, %jit3A : i32
    %rem3A = arith.remsi %arg0, %select_n3A : i32
    %ne3A = arith.constant 0 : i32
    %ne3A_5 = arith.cmpi ne, %rem3A, %ne3A : i32
    %lt3A = arith.constant 0 : i32
    %lt3A_6 = arith.cmpi slt, %rem3A, %lt3A : i32
    %lt3A_7 = arith.constant 0 : i32
    %lt3A_8 = arith.cmpi slt, %select_n3A, %lt3A_7 : i32
    %ne3A_9 = arith.xori %lt3A_6, %lt3A_8 : i1
    %and3A = arith.andi %ne3A_9, %ne3A_5 : i1
    %add3A = arith.addi %rem3A, %select_n3A : i32
    %select_n3A_10 = arith.select %and3A, %add3A, %rem3A : i32
    %eq3A_11 = arith.constant 0 : i32
    %eq3A_12 = arith.cmpi eq, %select_n3A_10, %eq3A_11 : i32
    %convert_element_type3A_13 = arith.extui %eq3A_12 : i1 to i32
    %cond3A_14 = arith.constant 0 : i32
    %cond3A_15 = arith.cmpi ne, %convert_element_type3A_13, %cond3A_14 : i32
    scf.if %cond3A_15 {
      %get3A = arith.constant 0 : index
      %get3A_37 = arith.constant 0 : index
      %get3A_38 = vector.load %arg1[%get3A, %get3A_37] : memref<4096x256xf32, #tpu.memory_space<vmem>>, vector<4096x256xf32>
      %get3A_39 = arith.constant 0 : index
      %get3A_40 = arith.constant 0 : index
      %get3A_41 = vector.load %arg2[%get3A_39, %get3A_40] : memref<512x256xf32, #tpu.memory_space<vmem>>, vector<512x256xf32>
      %dot_general3A = arith.constant dense<0.000000e+00> : vector<4096x512xf32>
      %dot_general3A_42 = tpu.matmul %get3A_38, %get3A_41, %dot_general3A {dimension_numbers = #tpu.dot_dimension_numbers<[1], [1], [0], [0], [0, 0, 1, 0], [], []>, transpose_lhs_hint = false} : vector<4096x256xf32>, vector<512x256xf32>, vector<4096x512xf32> -> vector<4096x512xf32>
      %swap3A = arith.constant 0 : index
      %swap3A_43 = arith.constant 0 : index
      %swap3A_44 = vector.load %arg5[%swap3A, %swap3A_43] : memref<4096x512xf32, #tpu.memory_space<vmem>>, vector<4096x512xf32>
      tpu.vector_store %arg5[%swap3A, %swap3A_43], %dot_general3A_42 {strides = array<i32>} : memref<4096x512xf32, #tpu.memory_space<vmem>>, vector<4096x512xf32>,
      %get3A_45 = arith.constant 0 : index
      %get3A_46 = arith.constant 0 : index
      %get3A_47 = vector.load %arg6[%get3A_45, %get3A_46] : memref<4096x512xf32, #tpu.memory_space<vmem>>, vector<4096x512xf32>
      %reduce_max3A = arith.constant dense<0xFF800000> : vector<4096xf32>
      %reduce_max3A_48 = vector.multi_reduction <maximumf>, %get3A_47, %reduce_max3A [1] : vector<4096x512xf32> to vector<4096xf32>
      %broadcast_in_dim3A = vector.shape_cast %reduce_max3A_48 : vector<4096xf32> to vector<4096x1xf32>
      %iota3A = tpu.iota {dimensions = array<i32: 1>} : vector<4096x512xi32>
      %eq3A_49 = vector.broadcast %broadcast_in_dim3A : vector<4096x1xf32> to vector<4096x512xf32>
      %eq3A_50 = arith.cmpf oeq, %get3A_47, %eq3A_49 : vector<4096x512xf32>
      %jit3A_51 = arith.constant 512 : i32
      %broadcast_in_dim3A_52 = vector.broadcast %jit3A_51 : i32 to vector<4096x512xi32>
      %select_n3A_53 = arith.select %eq3A_50, %iota3A, %broadcast_in_dim3A_52 : vector<4096x512xi1>, vector<4096x512xi32>
      %reduce_min3A = arith.constant dense<2147483647> : vector<4096xi32>
      %reduce_min3A_54 = vector.multi_reduction <minsi>, %select_n3A_53, %reduce_min3A [1] : vector<4096x512xi32> to vector<4096xi32>
      %broadcast_in_dim3A_55 = vector.shape_cast %reduce_min3A_54 : vector<4096xi32> to vector<4096x1xi32>
      %sub3A = arith.constant 1 : i32
      %sub3A_56 = arith.subi %arg0, %sub3A : i32
      %mul3A = arith.constant 512 : i32
      %mul3A_57 = arith.muli %sub3A_56, %mul3A : i32
      %add3A_58 = vector.broadcast %mul3A_57 : i32 to vector<4096x1xi32>
      %add3A_59 = arith.addi %broadcast_in_dim3A_55, %add3A_58 : vector<4096x1xi32>
      %get3A_60 = arith.constant 0 : index
      %get3A_61 = arith.constant 0 : index
      %get3A_62 = vector.load %arg3[%get3A_60, %get3A_61] : memref<4096x1xf32, #tpu.memory_space<vmem>>, vector<4096x1xf32>
      %gt3A = arith.cmpf ogt, %broadcast_in_dim3A, %get3A_62 : vector<4096x1xf32>
      %gt3A_63 = arith.constant 0 : i32
      %gt3A_64 = arith.cmpi sgt, %arg0, %gt3A_63 : i32
      %and3A_65 = vector.broadcast %gt3A_64 : i1 to vector<4096x1xi1>
      %and3A_66 = arith.andi %gt3A, %and3A_65 : vector<4096x1xi1>
      %get3A_67 = arith.constant 0 : index
      %get3A_68 = arith.constant 0 : index
      %get3A_69 = vector.load %arg3[%get3A_67, %get3A_68] : memref<4096x1xf32, #tpu.memory_space<vmem>>, vector<4096x1xf32>
      %select_n3A_70 = arith.select %and3A_66, %broadcast_in_dim3A, %get3A_69 : vector<4096x1xi1>, vector<4096x1xf32>
      %swap3A_71 = arith.constant 0 : index
      %swap3A_72 = arith.constant 0 : index
      %swap3A_73 = vector.load %arg3[%swap3A_71, %swap3A_72] : memref<4096x1xf32, #tpu.memory_space<vmem>>, vector<4096x1xf32>
      tpu.vector_store %arg3[%swap3A_71, %swap3A_72], %select_n3A_70 {strides = array<i32>} : memref<4096x1xf32, #tpu.memory_space<vmem>>, vector<4096x1xf32>,
      %get3A_74 = arith.constant 0 : index
      %get3A_75 = arith.constant 0 : index
      %get3A_76 = vector.load %arg4[%get3A_74, %get3A_75] : memref<4096x1xi32, #tpu.memory_space<vmem>>, vector<4096x1xi32>
      %select_n3A_77 = arith.select %and3A_66, %add3A_59, %get3A_76 : vector<4096x1xi1>, vector<4096x1xi32>
      %swap3A_78 = arith.constant 0 : index
      %swap3A_79 = arith.constant 0 : index
      %swap3A_80 = vector.load %arg4[%swap3A_78, %swap3A_79] : memref<4096x1xi32, #tpu.memory_space<vmem>>, vector<4096x1xi32>
      tpu.vector_store %arg4[%swap3A_78, %swap3A_79], %select_n3A_77 {strides = array<i32>} : memref<4096x1xi32, #tpu.memory_space<vmem>>, vector<4096x1xi32>,
    } else {
    }
    %jit3A_16 = arith.constant 2 : i32
    %eq3A_17 = arith.constant 0 : i32
    %eq3A_18 = arith.cmpi eq, %jit3A_16, %eq3A_17 : i32
    %jit3A_19 = arith.constant 1 : i32
    %select_n3A_20 = arith.select %eq3A_18, %jit3A_19, %jit3A_16 : i32
    %rem3A_21 = arith.remsi %arg0, %select_n3A_20 : i32
    %ne3A_22 = arith.constant 0 : i32
    %ne3A_23 = arith.cmpi ne, %rem3A_21, %ne3A_22 : i32
    %lt3A_24 = arith.constant 0 : i32
    %lt3A_25 = arith.cmpi slt, %rem3A_21, %lt3A_24 : i32
    %lt3A_26 = arith.constant 0 : i32
    %lt3A_27 = arith.cmpi slt, %select_n3A_20, %lt3A_26 : i32
    %ne3A_28 = arith.xori %lt3A_25, %lt3A_27 : i1
    %and3A_29 = arith.andi %ne3A_28, %ne3A_23 : i1
    %add3A_30 = arith.addi %rem3A_21, %select_n3A_20 : i32
    %select_n3A_31 = arith.select %and3A_29, %add3A_30, %rem3A_21 : i32
    %eq3A_32 = arith.constant 1 : i32
    %eq3A_33 = arith.cmpi eq, %select_n3A_31, %eq3A_32 : i32
    %convert_element_type3A_34 = arith.extui %eq3A_33 : i1 to i32
    %cond3A_35 = arith.constant 0 : i32
    %cond3A_36 = arith.cmpi ne, %convert_element_type3A_34, %cond3A_35 : i32
    scf.if %cond3A_36 {
      %get3A = arith.constant 0 : index
      %get3A_37 = arith.constant 0 : index
      %get3A_38 = vector.load %arg1[%get3A, %get3A_37] : memref<4096x256xf32, #tpu.memory_space<vmem>>, vector<4096x256xf32>
      %get3A_39 = arith.constant 0 : index
      %get3A_40 = arith.constant 0 : index
      %get3A_41 = vector.load %arg2[%get3A_39, %get3A_40] : memref<512x256xf32, #tpu.memory_space<vmem>>, vector<512x256xf32>
      %dot_general3A = arith.constant dense<0.000000e+00> : vector<4096x512xf32>
      %dot_general3A_42 = tpu.matmul %get3A_38, %get3A_41, %dot_general3A {dimension_numbers = #tpu.dot_dimension_numbers<[1], [1], [0], [0], [0, 0, 1, 0], [], []>, transpose_lhs_hint = false} : vector<4096x256xf32>, vector<512x256xf32>, vector<4096x512xf32> -> vector<4096x512xf32>
      %swap3A = arith.constant 0 : index
      %swap3A_43 = arith.constant 0 : index
      %swap3A_44 = vector.load %arg6[%swap3A, %swap3A_43] : memref<4096x512xf32, #tpu.memory_space<vmem>>, vector<4096x512xf32>
      tpu.vector_store %arg6[%swap3A, %swap3A_43], %dot_general3A_42 {strides = array<i32>} : memref<4096x512xf32, #tpu.memory_space<vmem>>, vector<4096x512xf32>,
      %get3A_45 = arith.constant 0 : index
      %get3A_46 = arith.constant 0 : index
      %get3A_47 = vector.load %arg5[%get3A_45, %get3A_46] : memref<4096x512xf32, #tpu.memory_space<vmem>>, vector<4096x512xf32>
      %reduce_max3A = arith.constant dense<0xFF800000> : vector<4096xf32>
      %reduce_max3A_48 = vector.multi_reduction <maximumf>, %get3A_47, %reduce_max3A [1] : vector<4096x512xf32> to vector<4096xf32>
      %broadcast_in_dim3A = vector.shape_cast %reduce_max3A_48 : vector<4096xf32> to vector<4096x1xf32>
      %iota3A = tpu.iota {dimensions = array<i32: 1>} : vector<4096x512xi32>
      %eq3A_49 = vector.broadcast %broadcast_in_dim3A : vector<4096x1xf32> to vector<4096x512xf32>
      %eq3A_50 = arith.cmpf oeq, %get3A_47, %eq3A_49 : vector<4096x512xf32>
      %jit3A_51 = arith.constant 512 : i32
      %broadcast_in_dim3A_52 = vector.broadcast %jit3A_51 : i32 to vector<4096x512xi32>
      %select_n3A_53 = arith.select %eq3A_50, %iota3A, %broadcast_in_dim3A_52 : vector<4096x512xi1>, vector<4096x512xi32>
      %reduce_min3A = arith.constant dense<2147483647> : vector<4096xi32>
      %reduce_min3A_54 = vector.multi_reduction <minsi>, %select_n3A_53, %reduce_min3A [1] : vector<4096x512xi32> to vector<4096xi32>
      %broadcast_in_dim3A_55 = vector.shape_cast %reduce_min3A_54 : vector<4096xi32> to vector<4096x1xi32>
      %sub3A = arith.constant 1 : i32
      %sub3A_56 = arith.subi %arg0, %sub3A : i32
      %mul3A = arith.constant 512 : i32
      %mul3A_57 = arith.muli %sub3A_56, %mul3A : i32
      %add3A_58 = vector.broadcast %mul3A_57 : i32 to vector<4096x1xi32>
      %add3A_59 = arith.addi %broadcast_in_dim3A_55, %add3A_58 : vector<4096x1xi32>
      %get3A_60 = arith.constant 0 : index
      %get3A_61 = arith.constant 0 : index
      %get3A_62 = vector.load %arg3[%get3A_60, %get3A_61] : memref<4096x1xf32, #tpu.memory_space<vmem>>, vector<4096x1xf32>
      %gt3A = arith.cmpf ogt, %broadcast_in_dim3A, %get3A_62 : vector<4096x1xf32>
      %gt3A_63 = arith.constant 0 : i32
      %gt3A_64 = arith.cmpi sgt, %arg0, %gt3A_63 : i32
      %and3A_65 = vector.broadcast %gt3A_64 : i1 to vector<4096x1xi1>
      %and3A_66 = arith.andi %gt3A, %and3A_65 : vector<4096x1xi1>
      %get3A_67 = arith.constant 0 : index
      %get3A_68 = arith.constant 0 : index
      %get3A_69 = vector.load %arg3[%get3A_67, %get3A_68] : memref<4096x1xf32, #tpu.memory_space<vmem>>, vector<4096x1xf32>
      %select_n3A_70 = arith.select %and3A_66, %broadcast_in_dim3A, %get3A_69 : vector<4096x1xi1>, vector<4096x1xf32>
      %swap3A_71 = arith.constant 0 : index
      %swap3A_72 = arith.constant 0 : index
      %swap3A_73 = vector.load %arg3[%swap3A_71, %swap3A_72] : memref<4096x1xf32, #tpu.memory_space<vmem>>, vector<4096x1xf32>
      tpu.vector_store %arg3[%swap3A_71, %swap3A_72], %select_n3A_70 {strides = array<i32>} : memref<4096x1xf32, #tpu.memory_space<vmem>>, vector<4096x1xf32>,
      %get3A_74 = arith.constant 0 : index
      %get3A_75 = arith.constant 0 : index
      %get3A_76 = vector.load %arg4[%get3A_74, %get3A_75] : memref<4096x1xi32, #tpu.memory_space<vmem>>, vector<4096x1xi32>
      %select_n3A_77 = arith.select %and3A_66, %add3A_59, %get3A_76 : vector<4096x1xi1>, vector<4096x1xi32>
      %swap3A_78 = arith.constant 0 : index
      %swap3A_79 = arith.constant 0 : index
      %swap3A_80 = vector.load %arg4[%swap3A_78, %swap3A_79] : memref<4096x1xi32, #tpu.memory_space<vmem>>, vector<4096x1xi32>
      tpu.vector_store %arg4[%swap3A_78, %swap3A_79], %select_n3A_77 {strides = array<i32>} : memref<4096x1xi32, #tpu.memory_space<vmem>>, vector<4096x1xi32>,
    } else {
    }
    return
  }
  func.func @transform_0(%arg0: i32) -> (i32, i32) {
    %c0_i32 = arith.constant 0 : i32
    %c0_i32_0 = arith.constant 0 : i32
    %c0_i32_1 = arith.constant 0 : i32
    return %c0_i32, %c0_i32_0 : i32, i32
  }
  func.func @transform_1(%arg0: i32) -> (i32, i32) {
    %min3A = arith.constant 15 : i32
    %min3A_0 = arith.minsi %arg0, %min3A : i32
    %c0_i32 = arith.constant 0 : i32
    %c0_i32_1 = arith.constant 0 : i32
    return %min3A_0, %c0_i32 : i32, i32
  }
  func.func @transform_2(%arg0: i32) -> (i32, i32) {
    %c0_i32 = arith.constant 0 : i32
    %c0_i32_0 = arith.constant 0 : i32
    %c0_i32_1 = arith.constant 0 : i32
    return %c0_i32, %c0_i32_0 : i32, i32
  }
  func.func @transform_3(%arg0: i32) -> (i32, i32) {
    %c0_i32 = arith.constant 0 : i32
    %c0_i32_0 = arith.constant 0 : i32
    %c0_i32_1 = arith.constant 0 : i32
    return %c0_i32, %c0_i32_0 : i32, i32
  }
}

</mosaic_0001>

<sc_bundles>
// kernel: kernel.4.cloned.1.call-start
scs
__scs_entry_jumppad:
0x0: {  	(pc) =	sbr.rel $0x88, $3  }
0x1: {  	(tag) =	ssettag $0x0;
	lr =	simm.s32 $0x1  }
0x2: {  	[smem:$0x3F9F] =	sst lr;
	_ =	strace $0xD0000000  }
0x3: {  	_ = 	snop  }
0x4: {  	_ = 	snop  }
0x5: {  	_ = 	snop  }
0x6: {  	_ = 	snop  }
0x7: {  	_ = 	snop  }
__scs_overlays_trampoline_lowered:
0x8: {  	[smem:$0x3FAE] =	sst s0  }
0x9: {  	[smem:$0x3FAF] =	sst s1  }
0xa: {  	[smem:$0x3FB0] =	sst s2  }
0xb: {  	[smem:$0x3FB1] =	sst s3  }
0xc: {  	[smem:$0x3FB2] =	sst s4  }
0xd: {  	[smem:$0x3FB3] =	sst s5  }
0xe: {  	[smem:$0x3FB4] =	sst s6  }
0xf: {  	[smem:$0x3FB5] =	sst s7  }
0x10: {  	[smem:$0x3FB6] =	sst s8  }
0x11: {  	[smem:$0x3FB7] =	sst s9;
	s0 =	simm.s32 @!p0 $0x0  }
0x12: {  	s1 =	sld [smem:$0x3F9D];
	s0 =	simm.s32 @p0 $0x1  }
0x13: {  	[smem:$0x3FB8] =	sst s0;
	s0 =	simm.s32 @!p1 $0x0  }
0x14: {  	s2 =	sld [smem:$0x3F9C];
	s0 =	simm.s32 @p1 $0x1  }
0x15: {  	[smem:$0x3FB9] =	sst s0;
	s0 =	simm.s32 @!p2 $0x0  }
0x16: {  	s3 =	sld [smem:$0x3FDB];
	s0 =	simm.s32 @p2 $0x1  }
0x17: {  	s4 =	simm.s32 $0x1BF5;
	[smem:$0x3FBB] =	sst s0  }
0x18: {  	s0 =	sld [smem:$0x3F9E];
	_ =	swait.ge [sflag:s4], $0x0  }
0x19: {  	s7 =	sld [smem:$0x3F9F]  }
0x1a: {  	s8 =	sadd.s32 $0xFFFFE003, lr  }
0x1b: {  	s9 =	sadd.s32 $0xFFFFFEF7, lr;
	s5 =	simm.s32 $0xFFFFFFFF;
	p2 =	slt.u32 s8, $0xFFFFF086  }
0x1c: {  	p1 =	slt.u32 s9, $0xF7A;
	s5 =	simm.s32 @!p2 $0x0  }
0x1d: {  	s5 =	simm.s32 @p1 $0x1;
	p0 =	seq.s32 s7, s2  }
0x1e: {  	s7 =	smul.u32 @!p0 $0xF7A, s2;
	p2 =	seq.s32 @!p0 s5, $0x0  }
0x1f: {  	s9 =	smul.u32 $0xF7A, s1;
	s8 =	simm.s32 @!p0 $0x1BF5;
	p2 =	por !p2, p0  }
0x20: {  	[sflag:s8] =	ssyncset.s32 @!p0 $0xFFFFF086;
	s6 =	sadd.s32 @!p0 s3, s7;
	s7 =	simm.s32 @!p0 $0x108  }
0x21: {  	s3 =	sadd.s32 s3, s9;
	s6 =	sadd.s32 @!p0 $0x88, s6;
	s7 =	simm.s32 @p2 $0x1082  }
0x22: {  	[simem:s7], [sflag:s8] =	dma.local @!p0 [hbm:s6], $0xF7A  }
0x23: {  	s9 =	sor.u32 $0xD0000000, s2;
	s6 =	simm.s32 $0x108;
	_ =	swait.ge @!p0 [sflag:s8], $0x0  }
0x24: {  	s3 =	sadd.s32 $0x88, s3;
	s6 =	simm.s32 @!p1 $0x1082;
	[sflag:s4] =	ssyncset.s32 $0xFFFFF086  }
0x25: {  	[simem:s6], [sflag:s4] =	dma.local [hbm:s3], $0xF7A  }
0x26: {  	[smem:$0x3F9F] =	sst s1;
	(tag) =	ssettag s2;
	_ =	strace s9  }
0x27: {  	s1 =	sld [smem:$0x3FAF]  }
0x28: {  	s2 =	sld [smem:$0x3FB0]  }
0x29: {  	s4 =	sld [smem:$0x3FB2]  }
0x2a: {  	p0 =	seq.s32 s5, $0x0;
	s5 =	sld [smem:$0x3FB3]  }
0x2b: {  	s6 =	sld [smem:$0x3FB4]  }
0x2c: {  	s7 =	sld [smem:$0x3FB5]  }
0x2d: {  	s3 =	simm.s32 $0x108;
	s8 =	sld [smem:$0x3FB6]  }
0x2e: {  	s3 =	simm.s32 @!p0 $0x1082;
	s9 =	sld [smem:$0x3FB7]  }
0x2f: {  	lr =	sadd.s32 s0, s3;
	s0 =	sld [smem:$0x3FAE]  }
0x30: {  	s3 =	sld [smem:$0x3FB1]  }
0x31: {  	[smem:$0x3FBA] =	sst s10  }
0x32: {  	s10 =	sld [smem:$0x3FB8];
	_ =	sdelay $0x3  }
0x33: {  	p0 =	seq.s32 s10, $0x1;
	s10 =	sld [smem:$0x3FBA];
	_ =	sdelay $0x3  }
0x34: {  	[smem:$0x3FBA] =	sst s10  }
0x35: {  	s10 =	sld [smem:$0x3FB9];
	_ =	sdelay $0x3  }
0x36: {  	p1 =	seq.s32 s10, $0x1;
	s10 =	sld [smem:$0x3FBA];
	_ =	sdelay $0x3  }
0x37: {  	[smem:$0x3FBA] =	sst s10  }
0x38: {  	s10 =	sld [smem:$0x3FBB]  }
0x39: {  	_ = 	snop;
	(pc) =	sbr.ind lr, $3  }
0x3a: {  	_ = 	snop  }
0x3b: {  	_ = 	snop  }
0x3c: {  	p2 =	seq.s32 s10, $0x1;
	s10 =	sld [smem:$0x3FBA]  }
0x3d: {  	_ =	shalt  }
0x3e: {  	_ =	shalt  }
0x3f: {  	_ =	shalt  }
0x40: {  	_ =	shalt  }
0x41: {  	_ =	shalt  }
0x42: {  	_ =	shalt  }
0x43: {  	_ =	shalt  }
0x44: {  	_ =	shalt  }
0x45: {  	_ =	shalt  }
0x46: {  	_ =	shalt  }
0x47: {  	_ =	shalt  }
0x48: {  	_ =	shalt  }
0x49: {  	_ =	shalt  }
0x4a: {  	_ =	shalt  }
0x4b: {  	_ =	shalt  }
0x4c: {  	_ =	shalt  }
0x4d: {  	_ =	shalt  }
0x4e: {  	_ =	shalt  }
0x4f: {  	_ =	shalt  }
0x50: {  	_ =	shalt  }
0x51: {  	_ =	shalt  }
0x52: {  	_ =	shalt  }
0x53: {  	_ =	shalt  }
0x54: {  	_ =	shalt  }
0x55: {  	_ =	shalt  }
0x56: {  	_ =	shalt  }
0x57: {  	_ =	shalt  }
0x58: {  	_ =	shalt  }
0x59: {  	_ =	shalt  }
0x5a: {  	_ =	shalt  }
0x5b: {  	_ =	shalt  }
0x5c: {  	_ =	shalt  }
0x5d: {  	_ =	shalt  }
0x5e: {  	_ =	shalt  }
0x5f: {  	_ =	shalt  }
0x60: {  	_ =	shalt  }
0x61: {  	_ =	shalt  }
0x62: {  	_ =	shalt  }
0x63: {  	_ =	shalt  }
0x64: {  	_ =	shalt  }
0x65: {  	_ =	shalt  }
0x66: {  	_ =	shalt  }
0x67: {  	_ =	shalt  }
0x68: {  	_ =	shalt  }
0x69: {  	_ =	shalt  }
0x6a: {  	_ =	shalt  }
0x6b: {  	_ =	shalt  }
0x6c: {  	_ =	shalt  }
0x6d: {  	_ =	shalt  }
0x6e: {  	_ =	shalt  }
0x6f: {  	_ =	shalt  }
0x70: {  	_ =	shalt  }
0x71: {  	_ =	shalt  }
0x72: {  	_ =	shalt  }
0x73: {  	_ =	shalt  }
0x74: {  	_ =	shalt  }
0x75: {  	_ =	shalt  }
0x76: {  	_ =	shalt  }
0x77: {  	_ =	shalt  }
0x78: {  	_ =	shalt  }
0x79: {  	_ =	shalt  }
0x7a: {  	_ =	shalt  }
0x7b: {  	_ =	shalt  }
0x7c: {  	_ =	shalt  }
0x7d: {  	_ =	shalt  }
0x7e: {  	_ =	shalt  }
0x7f: {  	_ =	shalt  }
0x80: {  	_ =	shalt  }
0x81: {  	_ =	shalt  }
0x82: {  	_ =	shalt  }
0x83: {  	_ =	shalt  }
0x84: {  	_ =	shalt  }
0x85: {  	_ =	shalt  }
0x86: {  	_ =	shalt  }
0x87: {  	_ =	shalt  }
.Lfunc_end0:
.L_simem_size_0:
called_computation_lowered:
.L_overlay_start_0:
0x88: {  	s2 =	sld [smem:$0x3FD9]  }
0x89: {  	s3 =	sld [smem:$0x3FFE];
	_ =	sdelay $0x1  }
0x8a: {  	s1 =	srdreg.scid  }
0x8b: {  	s0 =	sand.u32 $0x1, s1  }
0x8c: {  	s14 =	sshll.u32 s0, $0xA;
	s2 =	sadd.s32 s3, s2  }
0x8d: {  	s2 =	sadd.s32 s2, s14  }
0x8e: {  	[smem:$0x3FC6] =	sst s2  }
0x8f: {  	_ = 	snop  }
0x90: {  	s2 =	sld [smem:$0x3FD0];
	_ =	sdelay $0x2  }
0x91: {  	s15 =	simm.s32 $0xA;
	s4 =	simm.s32 $0x10  }
0x92: {  	[smem:s4], [sflag:s15] =	dma.local [hbm:s2], $0x1  }
0x93: {  	_ =	swait.eq [sflag:s15], $0x1  }
0x94: {  	[sflag:s15] =	ssyncset.done $0x0  }
0x95: {  	[sflag:s15] =	ssyncadd.s32 $0xFFFFFFFF  }
0x96: {  	s16 =	sld [smem:$0x10];
	(tm) =	ssettm $0x1  }
0x97: {  	s17 =	sld [smem:$0x3FFB];
	_ =	sdelay $0x3  }
0x98: {  	_ =	strace s17  }
0x99: {  	s3 =	sld [smem:$0x3FFC];
	_ =	sdelay $0x3  }
0x9a: {  	_ =	strace s3  }
0x9b: {  	s3 =	sld [smem:$0x3FFD];
	_ =	sdelay $0x3  }
0x9c: {  	_ =	strace s3  }
0x9d: {  	_ =	strace $0x8FFFFFFF  }
0x9e: {  	s18 =	sld [smem:$0x3FDB];
	_ =	sdelay $0x1  }
0x9f: {  	s19 =	simm.s32 $_scs_section_size  }
0xa0: {  	s5 =	simm.s32 $_size__tile_overlayer_lowered;
	s6 =	simm.s32 $_tile_overlayer_lowered  }
0xa1: {  	s22 =	simm.s32 $0x1BFF;
	s21 =	sshll.u32 s6, $0x1;
	s3 =	sadd.s32 s19, s18  }
0xa2: {  	s7 =	simm.s32 $0x0;
	s20 =	sshll.u32 s5, $0x1;
	s5 =	sadd.s32 s21, s3  }
0xa3: {  	[timem:s7], [sflag:s22] =	dma.local [hbm:s5], s20  }
0xa4: {  	_ =	swait.ge [sflag:s22], s20  }
0xa5: {  	s4 =	ssub.s32 $0x0, s20;
	[sflag:s22] =	ssyncset.done $0x0  }
0xa6: {  	[sflag:s22] =	ssyncadd.s32 s4;
	_ =	sdelay $0x1  }
0xa7: {  	s23 =	simm.s32 $0x1B8B  }
0xa8: {  	_ =	swait.ge [sflag:s23], $0x1  }
0xa9: {  	[sflag:s23] =	ssyncset.done $0x0  }
0xaa: {  	s25 =	simm.s32 $0x1B8E;
	s24 =	sld [smem:$0x3FFE];
	[sflag:s23] =	ssyncadd.s32 $0xFFFFFFFF  }
0xab: {  	s26 =	simm.s32 $execute0_lowered;
	[smem:$0x3FD2] =	sst s25  }
0xac: {  	s5 =	sshll.u32 s26, $0x1;
	_ =	strace $0x80000046;
	[dreg:$0x1] =	wrdreg $0xFFFFFFFF  }
0xad: {  	s28 =	simm.s32 $_size_execute0_lowered;
	s3 =	sadd.s32 s3, s5;
	[dreg:$0x0] =	wrdreg $0x0  }
0xae: {  	s5 =	sshll.u32 s28, $0x1;
	[dreg:$0x2] =	wrdreg s3  }
0xaf: {  	[dreg:$0x3] =	wrdreg s5  }
0xb0: {  	[dreg:$0x4] =	wrdreg $0xC0  }
0xb1: {  	_ =	task [dreg:s7], $0x5FFFF  }
0xb2: {  	[dreg:$0x1] =	wrdreg $0xFFFFFFFF  }
0xb3: {  	[dreg:$0x0] =	wrdreg $0x60  }
0xb4: {  	[dreg:$0x2] =	wrdreg s24  }
0xb5: {  	[dreg:$0x3] =	wrdreg s16  }
0xb6: {  	[dreg:$0x4] =	wrdreg $0x9  }
0xb7: {  	_ =	task.clear_ibuf [dreg:s7], $0x5FFFF;
	_ =	strace $0x90000046  }
0xb8: {  	s29 =	simm.s32 $0x9;
	_ =	strace $0x80000048  }
0xb9: {  	_ =	swait.ge [sflag:s29], $0x1  }
0xba: {  	[sflag:s29] =	ssyncadd.s32 $0xFFFFFFFF  }
0xbb: {  	_ =	strace $0x90000048  }
0xbc: {  	_ =	sfence  }
0xbd: {  	s30 =	sld [smem:$0x0];
	_ =	sdelay $0x2  }
0xbe: {  	s31 =	sshll.u32 s1, $0xD;
	s1 =	sshrl.u32 s1, $0x2  }
0xbf: {  	s3 =	sand.u32 $0x4000, s31;
	s1 =	sadd.s32 s1, s30  }
0xc0: {  	s0 =	sor.u32 s3, s0;
	s1 =	sshll.u32 s1, $0x11  }
0xc1: {  	s0 =	sor.u32 s1, s0  }
0xc2: {  	s0 =	sadd.s32 $0x8F2B, s0  }
0xc3: {  	[sflag:s0] =	ssyncadd.remote.s32 $0x1  }
0xc4: {  	_ =	sfence.sel $0xFFFF  }
0xc5: {  	[dreg:$0x0] =	wrdreg $0xFFFFFFFF;
	(pc) =	sbr.abs _section_cstart, $3  }
0xc6: {  	[dreg:$0x1] =	wrdreg $0xFFFFFFFF  }
0xc7: {  	_ =	task.clear_ibuf [dreg:s7], $0x2FFFF;
	_ =	strace $0x9FFFFFFF  }
0xc8: {  	(tm) =	ssettm $0x7FFFFFFF  }
0xc9: {  	_ =	shalt  }
tec
execute0_lowered:
.L_overlay_start_1:
0x0: {  	(tag) =	ssettag $0x1  }
0x1: {  	s2 =	rddreg [dreg:$0x0]  }
0x2: {  	s5 =	rddreg [dreg:$0x1];
	s3 =	srdreg.scid  }
0x3: {  	s0 =	rddreg [dreg:$0x2];
	s1 =	stileid.u32;
	s9 =	simm.s32 $0x880  }
0x4: {  	s10 =	simm.s32 $0x1080;
	s11 =	simm.s32 $0x1880;
	s12 =	simm.s32 $0x2080  }
0x5: {  	s13 =	simm.s32 $0x2880;
	s14 =	simm.s32 $0x3080;
	s15 =	simm.s32 $0x3880  }
0x6: {  	s16 =	simm.s32 $0x4080;
	s17 =	simm.s32 $0x4880;
	s18 =	simm.s32 $0x5080  }
0x7: {  	s19 =	simm.s32 $0x5880;
	s20 =	simm.s32 $0x6080;
	s21 =	simm.s32 $0x6880  }
0x8: {  	s22 =	simm.s32 $0x7080;
	s23 =	simm.s32 $0x7880;
	s24 =	simm.s32 $0x1  }
0x9: {  	s4 =	sand.u32 $0x1, s3;
	s3 =	simm.s32 $0x0;
	s6 =	sshll.u32 s1, $0x8  }
0xa: {  	s7 =	sshll.u32 s4, $0x7;
	[smem:$0x7FF] =	sst s3;
	s4 =	ssub.s32 $0x2, s4  }
0xb: {  	s6 =	sor.u32 s7, s6;
	_ =	strace $0x80000047;
	s8 =	sshrl.u32 s4, $0x1  }
0xc: {  	v2 =	vlaneseq.u32;
	s7 =	sshrl.u32 s6, $0x3;
	s8 =	ssub.s32 s4, s8;
	s6 =	sshll.u32 s6, $0x5  }
0xd: {  	vm0 =	vmmov $0xffff;
	v1 =	vshrl.u32 v2, $0x3;
	s7 =	sadd.s32 s7, s2;
	s5 =	sadd.s32 s5, s6;
	s6 =	smax.u32 s8, $0x1  }
0xe: {  	v0 =	vand.u32 $0x7, v2;
	v2 =	vor.u32 $0x8, v2;
	v1 =	vmul.u32 $0x8, v1;
	s8 =	simm.s32 $0x80;
	s4 =	sadd.s32 $0x40000, s7;
	s7 =	simm.s32 $0x2  }
.LBB2_1:
0xf: {  	[tilespmem:s3], [sflag:$0x2] =	stream.linear.gather [hbm4b:s4+s3], $0x80, $0x38;
	[tilespmem:$0x8080] =	vst v63  }
0x10: {  	_ =	swait.ge [sflag:s7], $0x80  }
0x11: {  	[sflag:s7] =	ssyncset.done $0x0  }
0x12: {  	[sflag:s7] =	ssyncadd.s32 $0xFFFFFF80  }
0x13: {  	v3 =	vld [tilespmem:$0x0];
	_ =	sdelay $0x4  }
0x14: {  	v4 =	vshll.u32 v3, $0x1  }
0x15: {  	v3 =	vand.u32 $0x7, v3;
	v4 =	vand.u32 $0xFFFFFFF0, v4  }
0x16: {  	v3 =	vor.u32 v3, v4  }
0x17: {  	v4 =	vperm.xlane v3, v0;
	_ =	sdelay $0x1  }
0x18: {  	v3 =	vperm.xlane v3, v2;
	v4 =	vadd.s32 v1, v4;
	_ =	sdelay $0x1  }
0x19: {  	v3 =	vadd.s32 v1, v3;
	_ =	sdelay $0x2  }
0x1a: {  	[tilespmem:s8], [sflag:$0x1] =	stream.indirect_vreg.gather [hbm4b:s2+s3], $0x80, v4, vm0, $0xb8;
	[tilespmem:$0x8080] =	vst v63  }
0x1b: {  	_ = 	snop  }
0x1c: {  	[tilespmem:s9], [sflag:$0x1] =	stream.indirect_vreg.gather [hbm4b:s2+s3], $0x80, v3, vm0, $0xb8;
	[tilespmem:$0x8080] =	vst v63  }
0x1d: {  	v3 =	vld [tilespmem:$0x10];
	_ =	sdelay $0x4  }
0x1e: {  	v57 =	vshll.u32 v3, $0x1  }
0x1f: {  	v3 =	vand.u32 $0x7, v3;
	v4 =	vand.u32 $0xFFFFFFF0, v57  }
0x20: {  	v3 =	vor.u32 v3, v4  }
0x21: {  	v4 =	vperm.xlane v3, v0;
	_ =	sdelay $0x1  }
0x22: {  	v3 =	vperm.xlane v3, v2;
	v4 =	vadd.s32 v1, v4;
	_ =	sdelay $0x1  }
0x23: {  	v3 =	vadd.s32 v1, v3;
	_ =	sdelay $0x2  }
0x24: {  	[tilespmem:s10], [sflag:$0x1] =	stream.indirect_vreg.gather [hbm4b:s2+s3], $0x80, v4, vm0, $0xb8;
	[tilespmem:$0x8080] =	vst v63  }
0x25: {  	_ = 	snop  }
0x26: {  	[tilespmem:s11], [sflag:$0x1] =	stream.indirect_vreg.gather [hbm4b:s2+s3], $0x80, v3, vm0, $0xb8;
	[tilespmem:$0x8080] =	vst v63  }
0x27: {  	v3 =	vld [tilespmem:$0x20];
	_ =	sdelay $0x4  }
0x28: {  	v58 =	vshll.u32 v3, $0x1  }
0x29: {  	v3 =	vand.u32 $0x7, v3;
	v4 =	vand.u32 $0xFFFFFFF0, v58  }
0x2a: {  	v3 =	vor.u32 v3, v4  }
0x2b: {  	v4 =	vperm.xlane v3, v0;
	_ =	sdelay $0x1  }
0x2c: {  	v3 =	vperm.xlane v3, v2;
	v4 =	vadd.s32 v1, v4;
	_ =	sdelay $0x1  }
0x2d: {  	v3 =	vadd.s32 v1, v3;
	_ =	sdelay $0x2  }
0x2e: {  	[tilespmem:s12], [sflag:$0x1] =	stream.indirect_vreg.gather [hbm4b:s2+s3], $0x80, v4, vm0, $0xb8;
	[tilespmem:$0x8080] =	vst v63  }
0x2f: {  	_ = 	snop  }
0x30: {  	[tilespmem:s13], [sflag:$0x1] =	stream.indirect_vreg.gather [hbm4b:s2+s3], $0x80, v3, vm0, $0xb8;
	[tilespmem:$0x8080] =	vst v63  }
0x31: {  	v3 =	vld [tilespmem:$0x30];
	_ =	sdelay $0x4  }
0x32: {  	v59 =	vshll.u32 v3, $0x1  }
0x33: {  	v3 =	vand.u32 $0x7, v3;
	v4 =	vand.u32 $0xFFFFFFF0, v59  }
0x34: {  	v3 =	vor.u32 v3, v4  }
0x35: {  	v4 =	vperm.xlane v3, v0;
	_ =	sdelay $0x1  }
0x36: {  	v3 =	vperm.xlane v3, v2;
	v4 =	vadd.s32 v1, v4;
	_ =	sdelay $0x1  }
0x37: {  	v3 =	vadd.s32 v1, v3;
	_ =	sdelay $0x2  }
0x38: {  	[tilespmem:s14], [sflag:$0x1] =	stream.indirect_vreg.gather [hbm4b:s2+s3], $0x80, v4, vm0, $0xb8;
	[tilespmem:$0x8080] =	vst v63  }
0x39: {  	_ = 	snop  }
0x3a: {  	[tilespmem:s15], [sflag:$0x1] =	stream.indirect_vreg.gather [hbm4b:s2+s3], $0x80, v3, vm0, $0xb8;
	[tilespmem:$0x8080] =	vst v63  }
0x3b: {  	v3 =	vld [tilespmem:$0x40];
	_ =	sdelay $0x4  }
0x3c: {  	v60 =	vshll.u32 v3, $0x1  }
0x3d: {  	v3 =	vand.u32 $0x7, v3;
	v4 =	vand.u32 $0xFFFFFFF0, v60  }
0x3e: {  	v3 =	vor.u32 v3, v4  }
0x3f: {  	v4 =	vperm.xlane v3, v0;
	_ =	sdelay $0x1  }
0x40: {  	v3 =	vperm.xlane v3, v2;
	v4 =	vadd.s32 v1, v4;
	_ =	sdelay $0x1  }
0x41: {  	v3 =	vadd.s32 v1, v3;
	_ =	sdelay $0x2  }
0x42: {  	[tilespmem:s16], [sflag:$0x1] =	stream.indirect_vreg.gather [hbm4b:s2+s3], $0x80, v4, vm0, $0xb8;
	[tilespmem:$0x8080] =	vst v63  }
0x43: {  	_ = 	snop  }
0x44: {  	[tilespmem:s17], [sflag:$0x1] =	stream.indirect_vreg.gather [hbm4b:s2+s3], $0x80, v3, vm0, $0xb8;
	[tilespmem:$0x8080] =	vst v63  }
0x45: {  	v3 =	vld [tilespmem:$0x50];
	_ =	sdelay $0x4  }
0x46: {  	v61 =	vshll.u32 v3, $0x1  }
0x47: {  	v3 =	vand.u32 $0x7, v3;
	v4 =	vand.u32 $0xFFFFFFF0, v61  }
0x48: {  	v3 =	vor.u32 v3, v4  }
0x49: {  	v4 =	vperm.xlane v3, v0;
	_ =	sdelay $0x1  }
0x4a: {  	v3 =	vperm.xlane v3, v2;
	v4 =	vadd.s32 v1, v4;
	_ =	sdelay $0x1  }
0x4b: {  	v3 =	vadd.s32 v1, v3;
	_ =	sdelay $0x2  }
0x4c: {  	[tilespmem:s18], [sflag:$0x1] =	stream.indirect_vreg.gather [hbm4b:s2+s3], $0x80, v4, vm0, $0xb8;
	[tilespmem:$0x8080] =	vst v63  }
0x4d: {  	_ = 	snop  }
0x4e: {  	[tilespmem:s19], [sflag:$0x1] =	stream.indirect_vreg.gather [hbm4b:s2+s3], $0x80, v3, vm0, $0xb8;
	[tilespmem:$0x8080] =	vst v63  }
0x4f: {  	v3 =	vld [tilespmem:$0x60];
	_ =	sdelay $0x4  }
0x50: {  	v62 =	vshll.u32 v3, $0x1  }
0x51: {  	v3 =	vand.u32 $0x7, v3;
	v4 =	vand.u32 $0xFFFFFFF0, v62  }
0x52: {  	v3 =	vor.u32 v3, v4  }
0x53: {  	v4 =	vperm.xlane v3, v0;
	_ =	sdelay $0x1  }
0x54: {  	v3 =	vperm.xlane v3, v2;
	v4 =	vadd.s32 v1, v4;
	_ =	sdelay $0x1  }
0x55: {  	v3 =	vadd.s32 v1, v3;
	_ =	sdelay $0x2  }
0x56: {  	[tilespmem:s20], [sflag:$0x1] =	stream.indirect_vreg.gather [hbm4b:s2+s3], $0x80, v4, vm0, $0xb8;
	[tilespmem:$0x8080] =	vst v63  }
0x57: {  	_ = 	snop  }
0x58: {  	[tilespmem:s21], [sflag:$0x1] =	stream.indirect_vreg.gather [hbm4b:s2+s3], $0x80, v3, vm0, $0xb8;
	[tilespmem:$0x8080] =	vst v63  }
0x59: {  	v3 =	vld [tilespmem:$0x70];
	_ =	sdelay $0x4  }
0x5a: {  	v63 =	vshll.u32 v3, $0x1  }
0x5b: {  	v3 =	vand.u32 $0x7, v3;
	v4 =	vand.u32 $0xFFFFFFF0, v63  }
0x5c: {  	v3 =	vor.u32 v3, v4  }
0x5d: {  	v4 =	vperm.xlane v3, v0;
	_ =	sdelay $0x1  }
0x5e: {  	v3 =	vperm.xlane v3, v2;
	v4 =	vadd.s32 v1, v4;
	_ =	sdelay $0x1  }
0x5f: {  	v3 =	vadd.s32 v1, v3;
	_ =	sdelay $0x2  }
0x60: {  	[tilespmem:s22], [sflag:$0x1] =	stream.indirect_vreg.gather [hbm4b:s2+s3], $0x80, v4, vm0, $0xb8;
	[tilespmem:$0x8080] =	vst v63  }
0x61: {  	_ = 	snop  }
0x62: {  	[tilespmem:s23], [sflag:$0x1] =	stream.indirect_vreg.gather [hbm4b:s2+s3], $0x80, v3, vm0, $0xb8;
	[tilespmem:$0x8080] =	vst v63  }
0x63: {  	_ =	swait.ge [sflag:s24], $0x8000  }
0x64: {  	p0 =	sne.s32 s6, $0x1;
	[sflag:s24] =	ssyncset.done $0x0  }
.Ltmp0:
0x65: {  	[sflag:s24] =	ssyncadd.s32 $0xFFFF8000;
	(pc) =	sbr.rel @p0 .LBB2_1-.Ltmp0, $4  }
0x66: {  	[hbm4b:s5+s3] =	stream.linear.scatter [tilespmem:s8], [sflag:$0x2], $0x8000, $0x38;
	[tilespmem:$0x8080] =	vst v63  }
0x67: {  	_ =	swait.ge [sflag:s7], $0x8000  }
0x68: {  	[sflag:s7] =	ssyncset.done $0x0  }
0x69: {  	s6 =	sadd.s32 $0xFFFFFFFF, s6;
	[sflag:s7] =	ssyncadd.s32 $0xFFFF8000  }
0x6a: {  	_ =	sfence.sel $0x180000  }
0x6b: {  	[bflag:$0x0] =	sbarrier.arrive $0xFFFF  }
0x6c: {  	p0 =	sne.s32 s1, $0x0;
	_ =	strace $0x90000047  }
0x6d: {  	s0 =	sadd.s32 @!p0 $0x100000, s0;
	[bflag:$0x2] =	sbarrier.arrive $0xFFFF  }
0x6e: {  	[sflag:s0] =	ssyncadd.tile.s32 @!p0 $0x1;
	_ =	shalt  }
.Lfunc_end2:
_tile_overlayer_lowered:
.L_overlay_start_2:
0x6f: {  	(tag) =	ssettag $0x2  }
0x70: {  	s0 =	rddreg [dreg:$0x0];
	s2 =	stileid.u32  }
0x71: {  	s1 =	rddreg [dreg:$0x1];
	p0 =	sne.s32 s2, $0x0  }
0x72: {  	s3 =	rddreg [dreg:$0x2];
	[bflag:$0x3] =	sbarrier.arrive $0xFFFF;
	s2 =	simm.s32 @!p0 $0x1C02  }
0x73: {  	[timem:s3], [sflag:s2] =	dma.local @!p0 [hbm:s0], s1  }
0x74: {  	s0 =	simm.s32 @!p0 $0x2  }
0x75: {  	_ =	swait.ge @!p0 [sflag:s0], s1  }
0x76: {  	s1 =	ssub.s32 @!p0 $0x0, s1;
	[sflag:s0] =	ssyncset.done @!p0 $0x0  }
0x77: {  	[sflag:s0] =	ssyncadd.s32 @!p0 s1  }
0x78: {  	[bflag:$0x3] =	sbarrier.arrive $0xFFFF  }
0x79: {  	_ =	shalt  }

</sc_bundles>
